<compile_context>
chip_gen: v7x
topology: tpu7x:2x2x1
jax: 0.10.2.dev20260603
libtpu: 0.0.44.dev20260713+nightly
codegen_flags: <defaults>
</compile_context>

<pallas_src>
import functools

import jax
import jax.numpy as jnp
from jax import lax
from jax.experimental import pallas as pl
from jax.experimental.pallas import tpu as pltpu
from jax.experimental.pallas import tpu_sc as plsc

N = 100000
NSEG = 5000
TAB = 5120
NW = 32
PER = N // NW
NCH = PER // 16 + 2
WIN = NCH * 16
SB_W = 0.1


def _sc_partials(beta, pid):
    mesh = plsc.VectorSubcoreMesh(core_axis_name="c", subcore_axis_name="s")

    @functools.partial(
        pl.kernel,
        out_type=jax.ShapeDtypeStruct((NW, TAB), jnp.float32),
        mesh=mesh,
        scratch_types=[
            pltpu.VMEM((WIN,), jnp.float32),
            pltpu.VMEM((WIN,), jnp.int32),
            pltpu.VMEM((TAB,), jnp.float32),
        ],
        compiler_params=pltpu.CompilerParams(needs_layout_passes=False),
    )
    def k(beta_hbm, pid_hbm, out_hbm, beta_v, pid_v, acc_v):
        wid = lax.axis_index("s") * 2 + lax.axis_index("c")
        lo = wid * PER
        hi = lo + PER
        base = jnp.minimum((lo // 16) * 16, N - WIN)
        pltpu.sync_copy(beta_hbm.at[pl.ds(base, WIN)], beta_v)
        pltpu.sync_copy(pid_hbm.at[pl.ds(base, WIN)], pid_v)

        neg1 = jnp.full((16,), -1.0, jnp.float32)

        def init_body(i, c):
            acc_v[pl.ds(i * 16, 16)] = neg1
            return c

        lax.fori_loop(0, TAB // 16, init_body, 0)

        lane = lax.iota(jnp.int32, 16)

        def chunk(j, carry):
            ns, nc = carry
            b = beta_v[pl.ds(j * 16, 16)]
            p = pid_v[pl.ds(j * 16, 16)]
            gi = (base + j * 16) + lane
            valid = (gi >= lo) & (gi < hi)
            isn = valid & (p == 0)
            ns = ns + jnp.where(isn, b, 0.0)
            nc = nc + jnp.where(isn, 1.0, 0.0)
            pc = jnp.where(valid, p, (NSEG + 2) + lane)
            cur = plsc.load_gather(acc_v, (pc,))
            pending = b > cur

            def wcond(pend):
                return jnp.any(pend)

            def wbody(pend):
                plsc.store_scatter(acc_v, (pc,), b, mask=pend)
                cur2 = plsc.load_gather(acc_v, (pc,))
                return pend & (b > cur2)

            lax.while_loop(wcond, wbody, pending)
            return ns, nc

        zeros = jnp.zeros((16,), jnp.float32)
        ns, nc = lax.fori_loop(0, NCH, chunk, (zeros, zeros))
        ns_s = jnp.sum(ns)
        nc_s = jnp.sum(nc)
        tail = jnp.where(lane == 0, ns_s, jnp.where(lane == 1, nc_s, -1.0))
        acc_v[pl.ds(NSEG, 16)] = tail
        pltpu.sync_copy(acc_v, out_hbm.at[wid])

    return k(beta, pid)


def _tc_combine(partials):
    def body(p_ref, o_ref):
        t = p_ref[:]
        m = jnp.max(t, axis=0, keepdims=True)
        ids = lax.broadcasted_iota(jnp.int32, (1, TAB), 1)
        present = (m > -0.5) & (ids > 0) & (ids < NSEG)
        n_unique = jnp.sum(present.astype(jnp.float32))
        mean_term = jnp.sum(jnp.where(present, 1.0 - m, 0.0)) / n_unique
        ids2 = lax.broadcasted_iota(jnp.int32, (NW, TAB), 1)
        ns = jnp.sum(jnp.where(ids2 == NSEG, t, 0.0))
        nc = jnp.sum(jnp.where(ids2 == NSEG + 1, t, 0.0))
        nb_safe = jnp.where(nc > 0, nc, 1.0)
        loss = mean_term + SB_W * ns / nb_safe
        o_ref[0, 0] = jnp.where(nc > 0, loss, 0.0)

    return pl.pallas_call(
        body,
        out_shape=jax.ShapeDtypeStruct((1, 1), jnp.float32),
        out_specs=pl.BlockSpec(memory_space=pltpu.SMEM),
    )(partials)


def kernel(w, beta, x, y, particle_id):
    partials = _sc_partials(beta, particle_id)
    return _tc_combine(partials)[0, 0]

# --- scband reference (transcript-rebuilt; emitter-appended) ---
"""Pipeline reference for scband-background-loss-82386062672210 (READ-ONLY COPY).

The authoritative reference and input builder live on the scoring server;
editing this copy changes nothing except your own understanding.
"""

import jax, jax.numpy as jnp
import numpy as np

SB = 0.1
Q_MIN = 0.01


def setup_inputs(seed: int = 0) -> dict:
    key = jax.random.key(seed)
    k1, k2, k3, k4, k5 = jax.random.split(key, 5)
    N = 100000
    w = jax.random.uniform(k1, (N,), dtype=jnp.float32)
    beta = jax.random.uniform(k2, (N,), dtype=jnp.float32)
    x = jax.random.normal(k3, (N, 3), dtype=jnp.float32)
    y = jax.random.normal(k4, (N,), dtype=jnp.float32)
    particle_id = jax.random.randint(k5, (N,), 0, 5000, dtype=jnp.int32)
    return {"w": w, "beta": beta, "x": x, "y": y, "particle_id": particle_id}


def reference(w, beta, x, y, particle_id):
    pid = particle_id
    num_segments = 5000
    # For each unique particle id (>0), beta_alpha = max beta over its hits
    # (faithful to the torch per-pid argmax loop, vectorized as a segment max).
    seg_max = jax.ops.segment_max(beta, pid, num_segments=num_segments)
    seg_counts = jax.ops.segment_sum(jnp.ones_like(beta), pid, num_segments=num_segments)
    seg_ids = jnp.arange(num_segments, dtype=pid.dtype)
    present = (seg_counts > 0) & (seg_ids > 0)
    n_unique = jnp.sum(present.astype(jnp.float32))
    mean_term = jnp.sum(jnp.where(present, 1.0 - seg_max, 0.0)) / n_unique
    n = (pid == 0).astype(jnp.float32)
    nb = jnp.sum(n)
    nb_safe = jnp.where(nb > 0, nb, 1.0)
    loss = mean_term + SB * jnp.sum(n * beta) / nb_safe
    return jnp.where(nb > 0, loss, jnp.asarray(0.0, dtype=jnp.float32))

if __name__ == "__main__":
    import jax
    _d = setup_inputs()
    print(jax.jit(kernel)(*tuple(_d.values())))

</pallas_src>

<mosaic_0001>
#map = affine_map<(d0, d1) -> (0)>
#map1 = affine_map<(d0, d1) -> (0, 0)>
module attributes {stable_mosaic.version = 14 : i64} {
  func.func @k(%arg0: i32, %arg1: i32, %arg2: memref<100000xf32, #tpu.memory_space<hbm>>, %arg3: memref<100000xi32, #tpu.memory_space<hbm>>, %arg4: memref<32x5120xf32, #tpu.memory_space<hbm>>, %arg5: memref<3152xf32, #tpu.memory_space<vmem>>, %arg6: memref<3152xi32, #tpu.memory_space<vmem>>, %arg7: memref<5120xf32, #tpu.memory_space<vmem>>) attributes {dimension_semantics = [#tpu.dimension_semantics<core_parallel>, #tpu.dimension_semantics<subcore_parallel>], iteration_bounds = array<i64: 2, 16>, scalar_prefetch = 0 : i64, scratch_operands = 3 : i64, tpu.core_type = #tpu.core_type<sc_vector_subcore>, window_params = [{transform_indices = #map}, {transform_indices = #map}, {transform_indices = #map1}]} {
    %mul3A = arith.constant 2 : i32
    %mul3A_0 = arith.muli %arg1, %mul3A : i32
    %add3A = arith.addi %mul3A_0, %arg0 : i32
    %mul3A_1 = arith.constant 3125 : i32
    %mul3A_2 = arith.muli %add3A, %mul3A_1 : i32
    %add3A_3 = arith.constant 3125 : i32
    %add3A_4 = arith.addi %mul3A_2, %add3A_3 : i32
    %jit3A = arith.constant 16 : i32
    %div3A = arith.divsi %mul3A_2, %jit3A : i32
    %sign3A = arith.constant 0 : i32
    %sign3A_5 = arith.cmpi sgt, %mul3A_2, %sign3A : i32
    %sign3A_6 = arith.extui %sign3A_5 : i1 to i32
    %sign3A_7 = arith.constant 0 : i32
    %sign3A_8 = arith.cmpi slt, %mul3A_2, %sign3A_7 : i32
    %sign3A_9 = arith.extui %sign3A_8 : i1 to i32
    %sign3A_10 = arith.subi %sign3A_6, %sign3A_9 : i32
    %sign3A_11 = arith.constant 0 : i32
    %sign3A_12 = arith.cmpi sgt, %jit3A, %sign3A_11 : i32
    %sign3A_13 = arith.extui %sign3A_12 : i1 to i32
    %sign3A_14 = arith.constant 0 : i32
    %sign3A_15 = arith.cmpi slt, %jit3A, %sign3A_14 : i32
    %sign3A_16 = arith.extui %sign3A_15 : i1 to i32
    %sign3A_17 = arith.subi %sign3A_13, %sign3A_16 : i32
    %ne3A = arith.cmpi ne, %sign3A_10, %sign3A_17 : i32
    %rem3A = arith.remsi %mul3A_2, %jit3A : i32
    %ne3A_18 = arith.constant 0 : i32
    %ne3A_19 = arith.cmpi ne, %rem3A, %ne3A_18 : i32
    %and3A = arith.andi %ne3A, %ne3A_19 : i1
    %sub3A = arith.constant 1 : i32
    %sub3A_20 = arith.subi %div3A, %sub3A : i32
    %select_n3A = arith.select %and3A, %sub3A_20, %div3A : i32
    %mul3A_21 = arith.constant 16 : i32
    %mul3A_22 = arith.muli %select_n3A, %mul3A_21 : i32
    %min3A = arith.constant 96848 : i32
    %min3A_23 = arith.minsi %mul3A_22, %min3A : i32
    "tpu.region"() ({
      %run_scoped3A = tpu.sem_alloc : memref<!tpu.dma_semaphore, #tpu.memory_space<semaphore_mem>>
      %dma_start3A = tpu.memref_slice %arg2[%min3A_23] : memref<100000xf32, #tpu.memory_space<hbm>> -> memref<3152xf32, #tpu.memory_space<hbm>>
      %dma_start3A_57 = tpu.memref_slice %arg2[%min3A_23] : memref<100000xf32, #tpu.memory_space<hbm>> -> memref<3152xf32, #tpu.memory_space<hbm>>
      tpu.enqueue_dma source(%dma_start3A_57 : memref<3152xf32, #tpu.memory_space<hbm>>) target(%arg5 : memref<3152xf32, #tpu.memory_space<vmem>>) target_semaphore(%run_scoped3A : memref<!tpu.dma_semaphore, #tpu.memory_space<semaphore_mem>>)
      %dma_wait3A = tpu.memref_slice %arg2[%min3A_23] : memref<100000xf32, #tpu.memory_space<hbm>> -> memref<3152xf32, #tpu.memory_space<hbm>>
      %dma_wait3A_58 = tpu.memref_slice %arg2[%min3A_23] : memref<100000xf32, #tpu.memory_space<hbm>> -> memref<3152xf32, #tpu.memory_space<hbm>>
      tpu.wait_dma2 semaphore(%run_scoped3A : memref<!tpu.dma_semaphore, #tpu.memory_space<semaphore_mem>>) src(%dma_wait3A_58 : memref<3152xf32, #tpu.memory_space<hbm>>) dst(%arg5 : memref<3152xf32, #tpu.memory_space<vmem>>)
      tpu.yield
    }) : () -> ()
    "tpu.region"() ({
      %run_scoped3A = tpu.sem_alloc : memref<!tpu.dma_semaphore, #tpu.memory_space<semaphore_mem>>
      %dma_start3A = tpu.memref_slice %arg3[%min3A_23] : memref<100000xi32, #tpu.memory_space<hbm>> -> memref<3152xi32, #tpu.memory_space<hbm>>
      %dma_start3A_57 = tpu.memref_slice %arg3[%min3A_23] : memref<100000xi32, #tpu.memory_space<hbm>> -> memref<3152xi32, #tpu.memory_space<hbm>>
      tpu.enqueue_dma source(%dma_start3A_57 : memref<3152xi32, #tpu.memory_space<hbm>>) target(%arg6 : memref<3152xi32, #tpu.memory_space<vmem>>) target_semaphore(%run_scoped3A : memref<!tpu.dma_semaphore, #tpu.memory_space<semaphore_mem>>)
      %dma_wait3A = tpu.memref_slice %arg3[%min3A_23] : memref<100000xi32, #tpu.memory_space<hbm>> -> memref<3152xi32, #tpu.memory_space<hbm>>
      %dma_wait3A_58 = tpu.memref_slice %arg3[%min3A_23] : memref<100000xi32, #tpu.memory_space<hbm>> -> memref<3152xi32, #tpu.memory_space<hbm>>
      tpu.wait_dma2 semaphore(%run_scoped3A : memref<!tpu.dma_semaphore, #tpu.memory_space<semaphore_mem>>) src(%dma_wait3A_58 : memref<3152xi32, #tpu.memory_space<hbm>>) dst(%arg6 : memref<3152xi32, #tpu.memory_space<vmem>>)
      tpu.yield
    }) : () -> ()
    %broadcast_in_dim3A = arith.constant -1.000000e+00 : f32
    %broadcast_in_dim3A_24 = vector.broadcast %broadcast_in_dim3A : f32 to vector<16xf32>
    %scan3A = arith.constant 0 : i32
    %scan3A_25 = arith.constant 0 : i32
    %scan3A_26 = arith.constant 320 : i32
    %scan3A_27 = arith.addi %scan3A_25, %scan3A_26 : i32
    %scan3A_28 = arith.constant 1 : i32
    scf.for %scan3A_57 = %scan3A_25 to %scan3A_27 step %scan3A_28  : i32 {
      %mul3A_58 = arith.constant 16 : i32
      %mul3A_59 = arith.muli %scan3A_57, %mul3A_58 : i32
      %swap3A_60 = arith.index_cast %mul3A_59 : i32 to index
      %swap3A_61 = tpu.vector_load %arg7[%swap3A_60] {strides = array<i32>} : memref<5120xf32, #tpu.memory_space<vmem>>, vector<16xf32>,
      tpu.vector_store %arg7[%swap3A_60], %broadcast_in_dim3A_24 {strides = array<i32>} : memref<5120xf32, #tpu.memory_space<vmem>>, vector<16xf32>,
    }
    %scan3A_29 = arith.constant 320 : i32
    %iota3A = tpu.iota {dimensions = array<i32: 0>} : vector<16xi32>
    %broadcast_in_dim3A_30 = arith.constant 0.000000e+00 : f32
    %broadcast_in_dim3A_31 = vector.broadcast %broadcast_in_dim3A_30 : f32 to vector<16xf32>
    %scan3A_32 = arith.constant 0 : i32
    %scan3A_33 = arith.constant 197 : i32
    %scan3A_34 = arith.addi %scan3A_32, %scan3A_33 : i32
    %scan3A_35 = arith.constant 1 : i32
    %scan3A_36:2 = scf.for %scan3A_57 = %scan3A_32 to %scan3A_34 step %scan3A_35 iter_args(%scan3A_58 = %broadcast_in_dim3A_31, %scan3A_59 = %broadcast_in_dim3A_31) -> (vector<16xf32>, vector<16xf32>)  : i32 {
      %mul3A_60 = arith.constant 16 : i32
      %mul3A_61 = arith.muli %scan3A_57, %mul3A_60 : i32
      %get3A = arith.index_cast %mul3A_61 : i32 to index
      %get3A_62 = tpu.vector_load %arg5[%get3A] {strides = array<i32>} : memref<3152xf32, #tpu.memory_space<vmem>>, vector<16xf32>,
      %mul3A_63 = arith.constant 16 : i32
      %mul3A_64 = arith.muli %scan3A_57, %mul3A_63 : i32
      %get3A_65 = arith.index_cast %mul3A_64 : i32 to index
      %get3A_66 = tpu.vector_load %arg6[%get3A_65] {strides = array<i32>} : memref<3152xi32, #tpu.memory_space<vmem>>, vector<16xi32>,
      %mul3A_67 = arith.constant 16 : i32
      %mul3A_68 = arith.muli %scan3A_57, %mul3A_67 : i32
      %add3A_69 = arith.addi %min3A_23, %mul3A_68 : i32
      %add3A_70 = vector.broadcast %add3A_69 : i32 to vector<16xi32>
      %add3A_71 = arith.addi %add3A_70, %iota3A : vector<16xi32>
      %ge3A = vector.broadcast %mul3A_2 : i32 to vector<16xi32>
      %ge3A_72 = arith.cmpi sge, %add3A_71, %ge3A : vector<16xi32>
      %lt3A = vector.broadcast %add3A_4 : i32 to vector<16xi32>
      %lt3A_73 = arith.cmpi slt, %add3A_71, %lt3A : vector<16xi32>
      %and3A_74 = arith.andi %ge3A_72, %lt3A_73 : vector<16xi1>
      %eq3A_75 = arith.constant 0 : i32
      %eq3A_76 = vector.broadcast %eq3A_75 : i32 to vector<16xi32>
      %eq3A_77 = arith.cmpi eq, %get3A_66, %eq3A_76 : vector<16xi32>
      %and3A_78 = arith.andi %and3A_74, %eq3A_77 : vector<16xi1>
      %jit3A_79 = arith.constant 0.000000e+00 : f32
      %broadcast_in_dim3A_80 = vector.broadcast %jit3A_79 : f32 to vector<16xf32>
      %select_n3A_81 = arith.select %and3A_78, %get3A_62, %broadcast_in_dim3A_80 : vector<16xi1>, vector<16xf32>
      %add3A_82 = arith.addf %scan3A_58, %select_n3A_81 : vector<16xf32>
      %jit3A_83 = arith.constant 1.000000e+00 : f32
      %jit3A_84 = arith.constant 0.000000e+00 : f32
      %broadcast_in_dim3A_85 = vector.broadcast %jit3A_83 : f32 to vector<16xf32>
      %broadcast_in_dim3A_86 = vector.broadcast %jit3A_84 : f32 to vector<16xf32>
      %select_n3A_87 = arith.select %and3A_78, %broadcast_in_dim3A_85, %broadcast_in_dim3A_86 : vector<16xi1>, vector<16xf32>
      %add3A_88 = arith.addf %scan3A_59, %select_n3A_87 : vector<16xf32>
      %add3A_89 = arith.constant 5002 : i32
      %add3A_90 = vector.broadcast %add3A_89 : i32 to vector<16xi32>
      %add3A_91 = arith.addi %add3A_90, %iota3A : vector<16xi32>
      %select_n3A_92 = arith.select %and3A_74, %get3A_66, %add3A_91 : vector<16xi1>, vector<16xi32>
      %gather3A = tpu.vector_load_idx %arg7[%select_n3A_92] : memref<5120xf32, #tpu.memory_space<vmem>>[vector<16xi32>], vector<16xf32>,
      %gt3A = arith.cmpf ogt, %get3A_62, %gather3A : vector<16xf32>
      %while3A = scf.while (%while3A_93 = %gt3A) : (vector<16xi1>) -> vector<16xi1> {
        %reduce_or3A = arith.constant 1.000000e+00 : f32
        %reduce_or3A_94 = arith.constant 0.000000e+00 : f32
        %reduce_or3A_95 = vector.broadcast %reduce_or3A : f32 to vector<16xf32>
        %reduce_or3A_96 = vector.broadcast %reduce_or3A_94 : f32 to vector<16xf32>
        %reduce_or3A_97 = arith.select %while3A_93, %reduce_or3A_95, %reduce_or3A_96 : vector<16xi1>, vector<16xf32>
        %reduce_or3A_98 = arith.constant true
        %reduce_or3A_99 = vector.broadcast %reduce_or3A_98 : i1 to vector<16xi1>
        %reduce_or3A_100 = tpu.scan <max>, %reduce_or3A_97 masked %reduce_or3A_99 : vector<16xf32>, vector<16xi1> -> vector<16xf32>
        %reduce_or3A_101 = vector.extract %reduce_or3A_100[15] : f32 from vector<16xf32>
        %reduce_or3A_102 = arith.constant 0.000000e+00 : f32
        %reduce_or3A_103 = arith.cmpf ogt, %reduce_or3A_101, %reduce_or3A_102 : f32
        scf.condition(%reduce_or3A_103) %while3A_93 : vector<16xi1>
      } do {
      ^bb0(%while3A_93: vector<16xi1>):
        tpu.vector_store_idx %arg7[%select_n3A_92], %get3A_62 masked %while3A_93 : memref<5120xf32, #tpu.memory_space<vmem>>[vector<16xi32>], vector<16xf32>, vector<16xi1>
        %gather3A_94 = tpu.vector_load_idx %arg7[%select_n3A_92] : memref<5120xf32, #tpu.memory_space<vmem>>[vector<16xi32>], vector<16xf32>,
        %gt3A_95 = arith.cmpf ogt, %get3A_62, %gather3A_94 : vector<16xf32>
        %and3A_96 = arith.andi %while3A_93, %gt3A_95 : vector<16xi1>
        scf.yield %and3A_96 : vector<16xi1>
      }
      scf.yield %add3A_82, %add3A_88 : vector<16xf32>, vector<16xf32>
    }
    %scan3A_37 = arith.constant 197 : i32
    %reduce_sum3A = arith.constant true
    %reduce_sum3A_38 = vector.broadcast %reduce_sum3A : i1 to vector<16xi1>
    %reduce_sum3A_39 = tpu.scan <sum>, %scan3A_36#0 masked %reduce_sum3A_38 : vector<16xf32>, vector<16xi1> -> vector<16xf32>
    %reduce_sum3A_40 = vector.extract %reduce_sum3A_39[15] : f32 from vector<16xf32>
    %reduce_sum3A_41 = arith.constant true
    %reduce_sum3A_42 = vector.broadcast %reduce_sum3A_41 : i1 to vector<16xi1>
    %reduce_sum3A_43 = tpu.scan <sum>, %scan3A_36#1 masked %reduce_sum3A_42 : vector<16xf32>, vector<16xi1> -> vector<16xf32>
    %reduce_sum3A_44 = vector.extract %reduce_sum3A_43[15] : f32 from vector<16xf32>
    %eq3A = arith.constant 0 : i32
    %eq3A_45 = vector.broadcast %eq3A : i32 to vector<16xi32>
    %eq3A_46 = arith.cmpi eq, %iota3A, %eq3A_45 : vector<16xi32>
    %eq3A_47 = arith.constant 1 : i32
    %eq3A_48 = vector.broadcast %eq3A_47 : i32 to vector<16xi32>
    %eq3A_49 = arith.cmpi eq, %iota3A, %eq3A_48 : vector<16xi32>
    %jit3A_50 = arith.constant -1.000000e+00 : f32
    %broadcast_in_dim3A_51 = vector.broadcast %reduce_sum3A_44 : f32 to vector<16xf32>
    %broadcast_in_dim3A_52 = vector.broadcast %jit3A_50 : f32 to vector<16xf32>
    %select_n3A_53 = arith.select %eq3A_49, %broadcast_in_dim3A_51, %broadcast_in_dim3A_52 : vector<16xi1>, vector<16xf32>
    %broadcast_in_dim3A_54 = vector.broadcast %reduce_sum3A_40 : f32 to vector<16xf32>
    %select_n3A_55 = arith.select %eq3A_46, %broadcast_in_dim3A_54, %select_n3A_53 : vector<16xi1>, vector<16xf32>
    %swap3A = arith.constant 5000 : index
    %swap3A_56 = tpu.vector_load %arg7[%swap3A] {strides = array<i32>} : memref<5120xf32, #tpu.memory_space<vmem>>, vector<16xf32>,
    tpu.vector_store %arg7[%swap3A], %select_n3A_55 {strides = array<i32>} : memref<5120xf32, #tpu.memory_space<vmem>>, vector<16xf32>,
    "tpu.region"() ({
      %run_scoped3A = tpu.sem_alloc : memref<!tpu.dma_semaphore, #tpu.memory_space<semaphore_mem>>
      %dma_start3A = arith.constant 0 : i32
      %dma_start3A_57 = tpu.memref_slice %arg4[%add3A, %dma_start3A] : memref<32x5120xf32, #tpu.memory_space<hbm>> -> memref<1x5120xf32, #tpu.memory_space<hbm>>
      %dma_start3A_58 = tpu.memref_squeeze %dma_start3A_57 : memref<1x5120xf32, #tpu.memory_space<hbm>> -> memref<5120xf32, #tpu.memory_space<hbm>>
      %dma_start3A_59 = arith.constant 0 : i32
      %dma_start3A_60 = tpu.memref_slice %arg4[%add3A, %dma_start3A_59] : memref<32x5120xf32, #tpu.memory_space<hbm>> -> memref<1x5120xf32, #tpu.memory_space<hbm>>
      %dma_start3A_61 = tpu.memref_squeeze %dma_start3A_60 : memref<1x5120xf32, #tpu.memory_space<hbm>> -> memref<5120xf32, #tpu.memory_space<hbm>>
      tpu.enqueue_dma source(%arg7 : memref<5120xf32, #tpu.memory_space<vmem>>) target(%dma_start3A_61 : memref<5120xf32, #tpu.memory_space<hbm>>) target_semaphore(%run_scoped3A : memref<!tpu.dma_semaphore, #tpu.memory_space<semaphore_mem>>)
      %dma_wait3A = arith.constant 0 : i32
      %dma_wait3A_62 = tpu.memref_slice %arg4[%add3A, %dma_wait3A] : memref<32x5120xf32, #tpu.memory_space<hbm>> -> memref<1x5120xf32, #tpu.memory_space<hbm>>
      %dma_wait3A_63 = tpu.memref_squeeze %dma_wait3A_62 : memref<1x5120xf32, #tpu.memory_space<hbm>> -> memref<5120xf32, #tpu.memory_space<hbm>>
      %dma_wait3A_64 = arith.constant 0 : i32
      %dma_wait3A_65 = tpu.memref_slice %arg4[%add3A, %dma_wait3A_64] : memref<32x5120xf32, #tpu.memory_space<hbm>> -> memref<1x5120xf32, #tpu.memory_space<hbm>>
      %dma_wait3A_66 = tpu.memref_squeeze %dma_wait3A_65 : memref<1x5120xf32, #tpu.memory_space<hbm>> -> memref<5120xf32, #tpu.memory_space<hbm>>
      tpu.wait_dma2 semaphore(%run_scoped3A : memref<!tpu.dma_semaphore, #tpu.memory_space<semaphore_mem>>) src(%arg7 : memref<5120xf32, #tpu.memory_space<vmem>>) dst(%dma_wait3A_66 : memref<5120xf32, #tpu.memory_space<hbm>>)
      tpu.yield
    }) : () -> ()
    return
  }
}

module attributes {stable_mosaic.version = 14 : i64} {
  func.func @body(%arg0: memref<32x5120xf32, #tpu.memory_space<vmem>>, %arg1: memref<1x1xf32, #tpu.memory_space<smem>>) attributes {dimension_semantics = [], scalar_prefetch = 0 : i64, scratch_operands = 0 : i64, tpu.core_type = #tpu.core_type<tc>} {
    %get3A = arith.constant 0 : index
    %get3A_0 = arith.constant 0 : index
    %get3A_1 = vector.load %arg0[%get3A, %get3A_0] : memref<32x5120xf32, #tpu.memory_space<vmem>>, vector<32x5120xf32>
    %reduce_max3A = arith.constant dense<0xFF800000> : vector<5120xf32>
    %reduce_max3A_2 = vector.multi_reduction <maximumf>, %get3A_1, %reduce_max3A [0] : vector<32x5120xf32> to vector<5120xf32>
    %broadcast_in_dim3A = vector.shape_cast %reduce_max3A_2 : vector<5120xf32> to vector<1x5120xf32>
    %iota3A = tpu.iota {dimensions = array<i32: 1>} : vector<1x5120xi32>
    %gt3A = arith.constant -5.000000e-01 : f32
    %gt3A_3 = vector.broadcast %gt3A : f32 to vector<1x5120xf32>
    %gt3A_4 = arith.cmpf ogt, %broadcast_in_dim3A, %gt3A_3 : vector<1x5120xf32>
    %gt3A_5 = arith.constant 0 : i32
    %gt3A_6 = vector.broadcast %gt3A_5 : i32 to vector<1x5120xi32>
    %gt3A_7 = arith.cmpi sgt, %iota3A, %gt3A_6 : vector<1x5120xi32>
    %and3A = arith.andi %gt3A_4, %gt3A_7 : vector<1x5120xi1>
    %lt3A = arith.constant 5000 : i32
    %lt3A_8 = vector.broadcast %lt3A : i32 to vector<1x5120xi32>
    %lt3A_9 = arith.cmpi slt, %iota3A, %lt3A_8 : vector<1x5120xi32>
    %and3A_10 = arith.andi %and3A, %lt3A_9 : vector<1x5120xi1>
    %convert_element_type3A = arith.extui %and3A_10 : vector<1x5120xi1> to vector<1x5120xi32>
    %convert_element_type3A_11 = arith.sitofp %convert_element_type3A : vector<1x5120xi32> to vector<1x5120xf32>
    %reduce_sum3A = vector.shape_cast %convert_element_type3A_11 : vector<1x5120xf32> to vector<1x1x5120xf32>
    %reduce_sum3A_12 = arith.constant dense<0.000000e+00> : vector<1xf32>
    %reduce_sum3A_13 = vector.multi_reduction <add>, %reduce_sum3A, %reduce_sum3A_12 [1, 2] : vector<1x1x5120xf32> to vector<1xf32>
    %reduce_sum3A_14 = vector.shape_cast %reduce_sum3A_13 : vector<1xf32> to vector<1x1x1xf32>
    %reduce_sum3A_15 = vector.extract %reduce_sum3A_14[0, 0, 0] : f32 from vector<1x1x1xf32>
    %sub3A = arith.constant 1.000000e+00 : f32
    %sub3A_16 = vector.broadcast %sub3A : f32 to vector<1x5120xf32>
    %sub3A_17 = arith.subf %sub3A_16, %broadcast_in_dim3A : vector<1x5120xf32>
    %jit3A = arith.constant 0.000000e+00 : f32
    %broadcast_in_dim3A_18 = vector.broadcast %jit3A : f32 to vector<1x5120xf32>
    %select_n3A = arith.select %and3A_10, %sub3A_17, %broadcast_in_dim3A_18 : vector<1x5120xi1>, vector<1x5120xf32>
    %reduce_sum3A_19 = vector.shape_cast %select_n3A : vector<1x5120xf32> to vector<1x1x5120xf32>
    %reduce_sum3A_20 = arith.constant dense<0.000000e+00> : vector<1xf32>
    %reduce_sum3A_21 = vector.multi_reduction <add>, %reduce_sum3A_19, %reduce_sum3A_20 [1, 2] : vector<1x1x5120xf32> to vector<1xf32>
    %reduce_sum3A_22 = vector.shape_cast %reduce_sum3A_21 : vector<1xf32> to vector<1x1x1xf32>
    %reduce_sum3A_23 = vector.extract %reduce_sum3A_22[0, 0, 0] : f32 from vector<1x1x1xf32>
    %div3A = arith.divf %reduce_sum3A_23, %reduce_sum3A_15 : f32
    %iota3A_24 = tpu.iota {dimensions = array<i32: 1>} : vector<32x5120xi32>
    %eq3A = arith.constant 5000 : i32
    %eq3A_25 = vector.broadcast %eq3A : i32 to vector<32x5120xi32>
    %eq3A_26 = arith.cmpi eq, %iota3A_24, %eq3A_25 : vector<32x5120xi32>
    %jit3A_27 = arith.constant 0.000000e+00 : f32
    %broadcast_in_dim3A_28 = vector.broadcast %jit3A_27 : f32 to vector<32x5120xf32>
    %select_n3A_29 = arith.select %eq3A_26, %get3A_1, %broadcast_in_dim3A_28 : vector<32x5120xi1>, vector<32x5120xf32>
    %reduce_sum3A_30 = vector.shape_cast %select_n3A_29 : vector<32x5120xf32> to vector<1x32x5120xf32>
    %reduce_sum3A_31 = arith.constant dense<0.000000e+00> : vector<1xf32>
    %reduce_sum3A_32 = vector.multi_reduction <add>, %reduce_sum3A_30, %reduce_sum3A_31 [1, 2] : vector<1x32x5120xf32> to vector<1xf32>
    %reduce_sum3A_33 = vector.shape_cast %reduce_sum3A_32 : vector<1xf32> to vector<1x1x1xf32>
    %reduce_sum3A_34 = vector.extract %reduce_sum3A_33[0, 0, 0] : f32 from vector<1x1x1xf32>
    %eq3A_35 = arith.constant 5001 : i32
    %eq3A_36 = vector.broadcast %eq3A_35 : i32 to vector<32x5120xi32>
    %eq3A_37 = arith.cmpi eq, %iota3A_24, %eq3A_36 : vector<32x5120xi32>
    %jit3A_38 = arith.constant 0.000000e+00 : f32
    %broadcast_in_dim3A_39 = vector.broadcast %jit3A_38 : f32 to vector<32x5120xf32>
    %select_n3A_40 = arith.select %eq3A_37, %get3A_1, %broadcast_in_dim3A_39 : vector<32x5120xi1>, vector<32x5120xf32>
    %reduce_sum3A_41 = vector.shape_cast %select_n3A_40 : vector<32x5120xf32> to vector<1x32x5120xf32>
    %reduce_sum3A_42 = arith.constant dense<0.000000e+00> : vector<1xf32>
    %reduce_sum3A_43 = vector.multi_reduction <add>, %reduce_sum3A_41, %reduce_sum3A_42 [1, 2] : vector<1x32x5120xf32> to vector<1xf32>
    %reduce_sum3A_44 = vector.shape_cast %reduce_sum3A_43 : vector<1xf32> to vector<1x1x1xf32>
    %reduce_sum3A_45 = vector.extract %reduce_sum3A_44[0, 0, 0] : f32 from vector<1x1x1xf32>
    %gt3A_46 = arith.constant 0.000000e+00 : f32
    %gt3A_47 = arith.cmpf ogt, %reduce_sum3A_45, %gt3A_46 : f32
    %jit3A_48 = arith.constant 1.000000e+00 : f32
    %select_n3A_49 = arith.select %gt3A_47, %reduce_sum3A_45, %jit3A_48 : f32
    %mul3A = arith.constant 1.000000e-01 : f32
    %mul3A_50 = arith.mulf %mul3A, %reduce_sum3A_34 : f32
    %div3A_51 = arith.divf %mul3A_50, %select_n3A_49 : f32
    %add3A = arith.addf %div3A, %div3A_51 : f32
    %gt3A_52 = arith.constant 0.000000e+00 : f32
    %gt3A_53 = arith.cmpf ogt, %reduce_sum3A_45, %gt3A_52 : f32
    %jit3A_54 = arith.constant 0.000000e+00 : f32
    %select_n3A_55 = arith.select %gt3A_53, %add3A, %jit3A_54 : f32
    %swap3A = arith.constant 0 : index
    %swap3A_56 = arith.constant 0 : index
    %swap3A_57 = memref.load %arg1[%swap3A, %swap3A_56] : memref<1x1xf32, #tpu.memory_space<smem>>
    memref.store %select_n3A_55, %arg1[%swap3A, %swap3A_56] : memref<1x1xf32, #tpu.memory_space<smem>>
    return
  }
}

</mosaic_0001>

<sc_bundles>
// kernel: kernel.4.cloned.1.call-start
scs
__scs_entry_jumppad:
0x0: {  	(pc) =	sbr.rel $0x88, $3  }
0x1: {  	(tag) =	ssettag $0x0;
	lr =	simm.s32 $0x1  }
0x2: {  	[smem:$0x3F9F] =	sst lr;
	_ =	strace $0xD0000000  }
0x3: {  	_ = 	snop  }
0x4: {  	_ = 	snop  }
0x5: {  	_ = 	snop  }
0x6: {  	_ = 	snop  }
0x7: {  	_ = 	snop  }
__scs_overlays_trampoline_lowered:
0x8: {  	[smem:$0x3FAE] =	sst s0  }
0x9: {  	[smem:$0x3FAF] =	sst s1  }
0xa: {  	[smem:$0x3FB0] =	sst s2  }
0xb: {  	[smem:$0x3FB1] =	sst s3  }
0xc: {  	[smem:$0x3FB2] =	sst s4  }
0xd: {  	[smem:$0x3FB3] =	sst s5  }
0xe: {  	[smem:$0x3FB4] =	sst s6  }
0xf: {  	[smem:$0x3FB5] =	sst s7  }
0x10: {  	[smem:$0x3FB6] =	sst s8  }
0x11: {  	[smem:$0x3FB7] =	sst s9;
	s0 =	simm.s32 @!p0 $0x0  }
0x12: {  	s1 =	sld [smem:$0x3F9D];
	s0 =	simm.s32 @p0 $0x1  }
0x13: {  	[smem:$0x3FB8] =	sst s0;
	s0 =	simm.s32 @!p1 $0x0  }
0x14: {  	s2 =	sld [smem:$0x3F9C];
	s0 =	simm.s32 @p1 $0x1  }
0x15: {  	[smem:$0x3FB9] =	sst s0;
	s0 =	simm.s32 @!p2 $0x0  }
0x16: {  	s3 =	sld [smem:$0x3FDB];
	s0 =	simm.s32 @p2 $0x1  }
0x17: {  	s4 =	simm.s32 $0x1BF5;
	[smem:$0x3FBB] =	sst s0  }
0x18: {  	s0 =	sld [smem:$0x3F9E];
	_ =	swait.ge [sflag:s4], $0x0  }
0x19: {  	s7 =	sld [smem:$0x3F9F]  }
0x1a: {  	s8 =	sadd.s32 $0xFFFFE003, lr  }
0x1b: {  	s9 =	sadd.s32 $0xFFFFFEF7, lr;
	s5 =	simm.s32 $0xFFFFFFFF;
	p2 =	slt.u32 s8, $0xFFFFF086  }
0x1c: {  	p1 =	slt.u32 s9, $0xF7A;
	s5 =	simm.s32 @!p2 $0x0  }
0x1d: {  	s5 =	simm.s32 @p1 $0x1;
	p0 =	seq.s32 s7, s2  }
0x1e: {  	s7 =	smul.u32 @!p0 $0xF7A, s2;
	p2 =	seq.s32 @!p0 s5, $0x0  }
0x1f: {  	s9 =	smul.u32 $0xF7A, s1;
	s8 =	simm.s32 @!p0 $0x1BF5;
	p2 =	por !p2, p0  }
0x20: {  	[sflag:s8] =	ssyncset.s32 @!p0 $0xFFFFF086;
	s6 =	sadd.s32 @!p0 s3, s7;
	s7 =	simm.s32 @!p0 $0x108  }
0x21: {  	s3 =	sadd.s32 s3, s9;
	s6 =	sadd.s32 @!p0 $0x88, s6;
	s7 =	simm.s32 @p2 $0x1082  }
0x22: {  	[simem:s7], [sflag:s8] =	dma.local @!p0 [hbm:s6], $0xF7A  }
0x23: {  	s9 =	sor.u32 $0xD0000000, s2;
	s6 =	simm.s32 $0x108;
	_ =	swait.ge @!p0 [sflag:s8], $0x0  }
0x24: {  	s3 =	sadd.s32 $0x88, s3;
	s6 =	simm.s32 @!p1 $0x1082;
	[sflag:s4] =	ssyncset.s32 $0xFFFFF086  }
0x25: {  	[simem:s6], [sflag:s4] =	dma.local [hbm:s3], $0xF7A  }
0x26: {  	[smem:$0x3F9F] =	sst s1;
	(tag) =	ssettag s2;
	_ =	strace s9  }
0x27: {  	s1 =	sld [smem:$0x3FAF]  }
0x28: {  	s2 =	sld [smem:$0x3FB0]  }
0x29: {  	s4 =	sld [smem:$0x3FB2]  }
0x2a: {  	p0 =	seq.s32 s5, $0x0;
	s5 =	sld [smem:$0x3FB3]  }
0x2b: {  	s6 =	sld [smem:$0x3FB4]  }
0x2c: {  	s7 =	sld [smem:$0x3FB5]  }
0x2d: {  	s3 =	simm.s32 $0x108;
	s8 =	sld [smem:$0x3FB6]  }
0x2e: {  	s3 =	simm.s32 @!p0 $0x1082;
	s9 =	sld [smem:$0x3FB7]  }
0x2f: {  	lr =	sadd.s32 s0, s3;
	s0 =	sld [smem:$0x3FAE]  }
0x30: {  	s3 =	sld [smem:$0x3FB1]  }
0x31: {  	[smem:$0x3FBA] =	sst s10  }
0x32: {  	s10 =	sld [smem:$0x3FB8];
	_ =	sdelay $0x3  }
0x33: {  	p0 =	seq.s32 s10, $0x1;
	s10 =	sld [smem:$0x3FBA];
	_ =	sdelay $0x3  }
0x34: {  	[smem:$0x3FBA] =	sst s10  }
0x35: {  	s10 =	sld [smem:$0x3FB9];
	_ =	sdelay $0x3  }
0x36: {  	p1 =	seq.s32 s10, $0x1;
	s10 =	sld [smem:$0x3FBA];
	_ =	sdelay $0x3  }
0x37: {  	[smem:$0x3FBA] =	sst s10  }
0x38: {  	s10 =	sld [smem:$0x3FBB]  }
0x39: {  	_ = 	snop;
	(pc) =	sbr.ind lr, $3  }
0x3a: {  	_ = 	snop  }
0x3b: {  	_ = 	snop  }
0x3c: {  	p2 =	seq.s32 s10, $0x1;
	s10 =	sld [smem:$0x3FBA]  }
0x3d: {  	_ =	shalt  }
0x3e: {  	_ =	shalt  }
0x3f: {  	_ =	shalt  }
0x40: {  	_ =	shalt  }
0x41: {  	_ =	shalt  }
0x42: {  	_ =	shalt  }
0x43: {  	_ =	shalt  }
0x44: {  	_ =	shalt  }
0x45: {  	_ =	shalt  }
0x46: {  	_ =	shalt  }
0x47: {  	_ =	shalt  }
0x48: {  	_ =	shalt  }
0x49: {  	_ =	shalt  }
0x4a: {  	_ =	shalt  }
0x4b: {  	_ =	shalt  }
0x4c: {  	_ =	shalt  }
0x4d: {  	_ =	shalt  }
0x4e: {  	_ =	shalt  }
0x4f: {  	_ =	shalt  }
0x50: {  	_ =	shalt  }
0x51: {  	_ =	shalt  }
0x52: {  	_ =	shalt  }
0x53: {  	_ =	shalt  }
0x54: {  	_ =	shalt  }
0x55: {  	_ =	shalt  }
0x56: {  	_ =	shalt  }
0x57: {  	_ =	shalt  }
0x58: {  	_ =	shalt  }
0x59: {  	_ =	shalt  }
0x5a: {  	_ =	shalt  }
0x5b: {  	_ =	shalt  }
0x5c: {  	_ =	shalt  }
0x5d: {  	_ =	shalt  }
0x5e: {  	_ =	shalt  }
0x5f: {  	_ =	shalt  }
0x60: {  	_ =	shalt  }
0x61: {  	_ =	shalt  }
0x62: {  	_ =	shalt  }
0x63: {  	_ =	shalt  }
0x64: {  	_ =	shalt  }
0x65: {  	_ =	shalt  }
0x66: {  	_ =	shalt  }
0x67: {  	_ =	shalt  }
0x68: {  	_ =	shalt  }
0x69: {  	_ =	shalt  }
0x6a: {  	_ =	shalt  }
0x6b: {  	_ =	shalt  }
0x6c: {  	_ =	shalt  }
0x6d: {  	_ =	shalt  }
0x6e: {  	_ =	shalt  }
0x6f: {  	_ =	shalt  }
0x70: {  	_ =	shalt  }
0x71: {  	_ =	shalt  }
0x72: {  	_ =	shalt  }
0x73: {  	_ =	shalt  }
0x74: {  	_ =	shalt  }
0x75: {  	_ =	shalt  }
0x76: {  	_ =	shalt  }
0x77: {  	_ =	shalt  }
0x78: {  	_ =	shalt  }
0x79: {  	_ =	shalt  }
0x7a: {  	_ =	shalt  }
0x7b: {  	_ =	shalt  }
0x7c: {  	_ =	shalt  }
0x7d: {  	_ =	shalt  }
0x7e: {  	_ =	shalt  }
0x7f: {  	_ =	shalt  }
0x80: {  	_ =	shalt  }
0x81: {  	_ =	shalt  }
0x82: {  	_ =	shalt  }
0x83: {  	_ =	shalt  }
0x84: {  	_ =	shalt  }
0x85: {  	_ =	shalt  }
0x86: {  	_ =	shalt  }
0x87: {  	_ =	shalt  }
.Lfunc_end0:
.L_simem_size_0:
called_computation_lowered:
.L_overlay_start_0:
0x88: {  	s2 =	sld [smem:$0x3FD9]  }
0x89: {  	s3 =	sld [smem:$0x3FFE];
	_ =	sdelay $0x1  }
0x8a: {  	s1 =	srdreg.scid  }
0x8b: {  	s0 =	sand.u32 $0x1, s1  }
0x8c: {  	s17 =	sshll.u32 s0, $0xA;
	s2 =	sadd.s32 s3, s2  }
0x8d: {  	s2 =	sadd.s32 s2, s17  }
0x8e: {  	[smem:$0x3FC6] =	sst s2  }
0x8f: {  	_ = 	snop  }
0x90: {  	s2 =	sld [smem:$0x3FC9]  }
0x91: {  	s18 =	sld [smem:$0x3FC8];
	(tm) =	ssettm $0x1  }
0x92: {  	s4 =	sld [smem:$0x3FFB];
	_ =	sdelay $0x3  }
0x93: {  	_ =	strace s4  }
0x94: {  	s4 =	sld [smem:$0x3FFC];
	_ =	sdelay $0x3  }
0x95: {  	_ =	strace s4  }
0x96: {  	s4 =	sld [smem:$0x3FFD];
	_ =	sdelay $0x3  }
0x97: {  	_ =	strace s4  }
0x98: {  	_ =	strace $0x8FFFFFFF  }
0x99: {  	s19 =	sld [smem:$0x3FDB];
	_ =	sdelay $0x1  }
0x9a: {  	s5 =	simm.s32 $_scs_section_size  }
0x9b: {  	s6 =	simm.s32 $_size__tile_overlayer_lowered;
	s7 =	simm.s32 $_tile_overlayer_lowered  }
0x9c: {  	s22 =	simm.s32 $0x1BFF;
	s21 =	sshll.u32 s7, $0x1;
	s4 =	sadd.s32 s5, s19  }
0x9d: {  	s8 =	simm.s32 $0x0;
	s20 =	sshll.u32 s6, $0x1;
	s6 =	sadd.s32 s21, s4  }
0x9e: {  	[timem:s8], [sflag:s22] =	dma.local [hbm:s6], s20  }
0x9f: {  	_ =	swait.ge [sflag:s22], s20  }
0xa0: {  	s5 =	ssub.s32 $0x0, s20;
	[sflag:s22] =	ssyncset.done $0x0  }
0xa1: {  	[sflag:s22] =	ssyncadd.s32 s5;
	_ =	sdelay $0x1  }
0xa2: {  	s23 =	simm.s32 $0x1B8B  }
0xa3: {  	_ =	swait.ge [sflag:s23], $0x1  }
0xa4: {  	[sflag:s23] =	ssyncset.done $0x0  }
0xa5: {  	s25 =	simm.s32 $0x1B8E;
	s24 =	sld [smem:$0x3FFE];
	[sflag:s23] =	ssyncadd.s32 $0xFFFFFFFF  }
0xa6: {  	s26 =	simm.s32 $execute0_lowered;
	[smem:$0x3FD2] =	sst s25  }
0xa7: {  	s6 =	sshll.u32 s26, $0x1;
	_ =	strace $0x80000046;
	[dreg:$0x1] =	wrdreg $0xFFFFFFFF  }
0xa8: {  	s28 =	simm.s32 $_size_execute0_lowered;
	s4 =	sadd.s32 s4, s6;
	[dreg:$0x0] =	wrdreg $0x0  }
0xa9: {  	s6 =	sshll.u32 s28, $0x1;
	[dreg:$0x2] =	wrdreg s4  }
0xaa: {  	[dreg:$0x3] =	wrdreg s6  }
0xab: {  	[dreg:$0x4] =	wrdreg $0xC0  }
0xac: {  	_ =	task [dreg:s8], $0x5FFFF  }
0xad: {  	[dreg:$0x1] =	wrdreg $0xFFFFFFFF  }
0xae: {  	[dreg:$0x0] =	wrdreg $0x60  }
0xaf: {  	[dreg:$0x2] =	wrdreg s2  }
0xb0: {  	[dreg:$0x3] =	wrdreg s18  }
0xb1: {  	[dreg:$0x4] =	wrdreg s24  }
0xb2: {  	[dreg:$0x5] =	wrdreg $0x9  }
0xb3: {  	_ =	task.clear_ibuf [dreg:s8], $0x6FFFF;
	_ =	strace $0x90000046  }
0xb4: {  	s29 =	simm.s32 $0x9;
	_ =	strace $0x80000048  }
0xb5: {  	_ =	swait.ge [sflag:s29], $0x1  }
0xb6: {  	[sflag:s29] =	ssyncadd.s32 $0xFFFFFFFF  }
0xb7: {  	_ =	strace $0x90000048  }
0xb8: {  	_ =	sfence  }
0xb9: {  	s30 =	sld [smem:$0x0];
	_ =	sdelay $0x2  }
0xba: {  	s31 =	sshll.u32 s1, $0xD;
	s1 =	sshrl.u32 s1, $0x2  }
0xbb: {  	s3 =	sand.u32 $0x4000, s31;
	s1 =	sadd.s32 s1, s30  }
0xbc: {  	s0 =	sor.u32 s3, s0;
	s1 =	sshll.u32 s1, $0x11  }
0xbd: {  	s0 =	sor.u32 s1, s0  }
0xbe: {  	s0 =	sadd.s32 $0x8F2B, s0  }
0xbf: {  	[sflag:s0] =	ssyncadd.remote.s32 $0x1  }
0xc0: {  	_ =	sfence.sel $0xFFFF  }
0xc1: {  	[dreg:$0x0] =	wrdreg $0xFFFFFFFF;
	(pc) =	sbr.abs _section_cstart, $3  }
0xc2: {  	[dreg:$0x1] =	wrdreg $0xFFFFFFFF  }
0xc3: {  	_ =	task.clear_ibuf [dreg:s8], $0x2FFFF;
	_ =	strace $0x9FFFFFFF  }
0xc4: {  	(tm) =	ssettm $0x7FFFFFFF  }
0xc5: {  	_ =	shalt  }
tec
execute0_lowered:
.L_overlay_start_1:
0x0: {  	(tag) =	ssettag $0x1  }
0x1: {  	s4 =	rddreg [dreg:$0x0]  }
0x2: {  	s5 =	rddreg [dreg:$0x1]  }
0x3: {  	s6 =	rddreg [dreg:$0x2]  }
0x4: {  	s1 =	srdreg.scid;
	s0 =	stileid.u32  }
0x5: {  	s11 =	simm.s32 $0x80;
	s12 =	simm.s32 $0x400;
	s13 =	simm.s32 $0x0  }
0x6: {  	s3 =	sand.u32 $0x1, s1;
	s2 =	sshll.u32 s0, $0x1;
	s7 =	sshrl.u32 s0, $0x2  }
0x7: {  	s1 =	rddreg [dreg:$0x3];
	s8 =	sor.u32 s3, s2;
	s7 =	smul.u32 $0xA000, s7  }
0x8: {  	s2 =	simm.s32 $0x0;
	s10 =	ssub.s32 $0x2, s3;
	s9 =	sshll.u32 s8, $0x7  }
0x9: {  	s8 =	smul.u32 $0xC35, s8;
	[smem:$0x7FF] =	sst s2;
	s9 =	sand.u32 $0x380, s9  }
0xa: {  	s30 =	sshrl.u32 s10, $0x1;
	_ =	strace $0x80000047;
	s7 =	sor.u32 s7, s9  }
.Ltmp0:
0xb: {  	s29 =	sand.u32 $0x1FFF0, s8;
	s31 =	sadd.s32 $0xC35, s8;
	(pc) =	sbr.rel .LBB2_1-.Ltmp0, $4  }
0xc: {  	v0 =	vmov s8;
	s8 =	simm.s32 $0x1;
	s7 =	sshrl.u32 s7, $0x3;
	s3 =	smin.u32 s29, $0x17A50  }
0xd: {  	v2 =	vimm.f32 $-1.000000000e+00;
	s6 =	sadd.s32 s7, s6;
	s9 =	sshrl.u32 s3, $0x3;
	s7 =	ssub.s32 s10, s30  }
0xe: {  	v3 =	vlaneseq.u32;
	v4 =	vimm.f32 $0.0e+00;
	vm0 =	vcmask $0x704;
	s10 =	simm.s32 $0x1900;
	s4 =	sadd.s32 s4, s9;
	s5 =	sadd.s32 s5, s9  }
0xf: {  	vm1 =	vcmask $0x3F04;
	v5 =	vadd.s32 $0x138A, v3;
	v1 =	vmov s31;
	s6 =	sadd.s32 $0x600, s6;
	s7 =	smax.u32 s7, $0x1;
	s9 =	simm.s32 $0xC80  }
.LBB2_7:
0x10: {  	(xrf2) =	vadd.scan.msk.f32 $0xffff, v7  }
0x11: {  	(xrf2) =	vadd.scan.msk.f32 $0xffff, v6;
	_ =	sdelay $0x8  }
0x12: {  	v6, _, _ =	vpop (xrf2)  }
0x13: {  	v7, _, _ =	vpop (xrf2)  }
0x14: {  	v7 =	vbroadcast v7, $0xF  }
0x15: {  	v6 =	vbroadcast v6, $0xF  }
0x16: {  	s13 =	sadd.s32 $0x1, s13;
	v7 =	vnsel vm0, $0xBF800000, v7  }
0x17: {  	p0 =	sne.s32 s13, s7;
	v6 =	vsel vm1, v7, v6  }
.Ltmp1:
0x18: {  	[tilespmem:$0x2C88] =	vst v6;
	(pc) =	sbr.rel @!p0 .LBB2_8-.Ltmp1, $4  }
0x19: {  	[hbm4b:s6+s11] =	stream.strided.scatter [tilespmem:s10], [sflag:$0x1], $0x1400, s12, s11, $0x38;
	[tilespmem:$0x2D00] =	vst v63  }
0x1a: {  	_ =	swait.ge [sflag:s8], $0x1400  }
0x1b: {  	[sflag:s8] =	ssyncset.done $0x0  }
0x1c: {  	[sflag:s8] =	ssyncadd.s32 $0xFFFFEC00  }
.LBB2_1:
0x1d: {  	[tilespmem:s2], [sflag:$0x1] =	stream.linear.gather [hbm4b:s4+s2], $0xC50, $0x38;
	[tilespmem:$0x2D00] =	vst v63  }
0x1e: {  	_ =	swait.ge [sflag:s8], $0xC50  }
0x1f: {  	[sflag:s8] =	ssyncset.done $0x0  }
0x20: {  	[sflag:s8] =	ssyncadd.s32 $0xFFFFF3B0  }
0x21: {  	[tilespmem:s9], [sflag:$0x1] =	stream.linear.gather [hbm4b:s5+s2], $0xC50, $0x38;
	[tilespmem:$0x2D00] =	vst v63  }
0x22: {  	_ =	swait.ge [sflag:s8], $0xC50  }
0x23: {  	[sflag:s8] =	ssyncset.done $0x0  }
0x24: {  	s14 =	simm.s32 $0x0;
	[sflag:s8] =	ssyncadd.s32 $0xFFFFF3B0  }
.LBB2_2:
0x25: {  	p0 =	sne.s32 s14, $0x4FC0  }
.Ltmp2:
0x26: {  	_ = 	snop;
	(pc) =	sbr.rel @p0 .LBB2_2-.Ltmp2, $3  }
0x27: {  	_ =	sdelay $0x1  }
0x28: {  	s15 =	sshra.s32 s14, $0x2  }
0x29: {  	s14 =	sadd.s32 $0x40, s14;
	[tilespmem:s15+$0x1900] =	vst v2  }
.Ltmp3:
0x2a: {  	(pc) =	sbr.rel .LBB2_4-.Ltmp3, $2  }
0x2b: {  	_ =	sdelay $0x2  }
0x2c: {  	s14 =	simm.s32 $0x0;
	v6 =	vimm.f32 $0.0e+00;
	v7 =	vimm.f32 $0.0e+00  }
.LBB2_6:
0x2d: {  	s14 =	sadd.s32 $0x1, s14  }
0x2e: {  	p0 =	sne.s32 s14, $0xC5  }
.Ltmp4:
0x2f: {  	vm3 =	veq.s32 v8, $0x0;
	(pc) =	sbr.rel @!p0 .LBB2_7-.Ltmp4, $4  }
0x30: {  	vm2 =	vmand vm2, vm3  }
0x31: {  	v8 =	vnsel vm2, $0x0, v9  }
0x32: {  	v63 =	vsel vm2, $0x3F800000, v4;
	v7 =	vadd.f32 v8, v7  }
0x33: {  	v6 =	vadd.f32 v63, v6  }
.LBB2_4:
0x34: {  	s15 =	sshll.u32 s14, $0x4  }
0x35: {  	v8 =	vld [tilespmem:s15+$0xC80]  }
0x36: {  	s16 =	sadd.s32 s3, s15  }
0x37: {  	v9 =	vor.u32 s16, v3  }
0x38: {  	vm2 =	vge.u32 v9, v0;
	vm3 =	vlt.u32 v9, v1  }
0x39: {  	vm2 =	vmand vm2, vm3  }
0x3a: {  	v10 =	vsel vm2, v8, v5;
	_ =	sdelay $0x3  }
0x3b: {  	v9 =	vld [tilespmem:s15+$0x0]  }
0x3c: {  	v11 =	vld.idx.msk [tilespmem:v10+s10+$0x0], $0xffff;
	_ =	sdelay $0x4  }
0x3d: {  	vm3 =	vgt.f32 v9, v11  }
0x3e: {  	v11 =	vsel vm3, $0x3F800000, v4  }
0x3f: {  	(xrf0) =	vmax.scan.msk.f32 $0xffff, v11;
	_ =	sdelay $0x5  }
0x40: {  	v11, _, _ =	vpop (xrf0)  }
0x41: {  	(v2sf) =	vpush v11, $0xF;
	_ =	sdelay $0xe  }
0x42: {  	s31 =	spop (v2sf)  }
0x43: {  	p0 =	sgt.f32 s31, $0.0e+00  }
.Ltmp5:
0x44: {  	_ = 	snop;
	(pc) =	sbr.rel @!p0 .LBB2_6-.Ltmp5, $1  }
0x45: {  	_ =	sdelay $0x3  }
.LBB2_5:
0x46: {  	[tilespmem:v10+s10+$0x0] =	vst.idx.msk vm3, v9  }
0x47: {  	v11 =	vld.idx.msk [tilespmem:v10+s10+$0x0], $0xffff;
	_ =	sdelay $0x4  }
0x48: {  	vm4 =	vgt.f32 v9, v11  }
0x49: {  	vm3 =	vmand vm3, vm4  }
0x4a: {  	v11 =	vsel vm3, $0x3F800000, v4  }
0x4b: {  	(xrf0) =	vmax.scan.msk.f32 $0xffff, v11;
	_ =	sdelay $0x5  }
0x4c: {  	v11, _, _ =	vpop (xrf0)  }
0x4d: {  	(v2sf) =	vpush v11, $0xF;
	_ =	sdelay $0xe  }
0x4e: {  	s15 =	spop (v2sf)  }
0x4f: {  	p0 =	sgt.f32 s15, $0.0e+00  }
.Ltmp6:
0x50: {  	_ = 	snop;
	(pc) =	sbr.rel @p0 .LBB2_5-.Ltmp6, $1  }
0x51: {  	_ =	sdelay $0x3  }
.Ltmp7:
0x52: {  	_ = 	snop;
	(pc) =	sbr.rel .LBB2_6-.Ltmp7, $1  }
0x53: {  	_ =	sdelay $0x3  }
.LBB2_8:
0x54: {  	_ =	sfence.sel $0x180000  }
0x55: {  	[bflag:$0x0] =	sbarrier.arrive $0xFFFF  }
0x56: {  	p0 =	sne.s32 s0, $0x0;
	_ =	strace $0x90000047  }
0x57: {  	s0 =	sadd.s32 @!p0 $0x100000, s1;
	[bflag:$0x2] =	sbarrier.arrive $0xFFFF  }
0x58: {  	[sflag:s0] =	ssyncadd.tile.s32 @!p0 $0x1;
	_ =	shalt  }
.Lfunc_end2:
_tile_overlayer_lowered:
.L_overlay_start_2:
0x59: {  	(tag) =	ssettag $0x2  }
0x5a: {  	s0 =	rddreg [dreg:$0x0];
	s2 =	stileid.u32  }
0x5b: {  	s1 =	rddreg [dreg:$0x1];
	p0 =	sne.s32 s2, $0x0  }
0x5c: {  	s3 =	rddreg [dreg:$0x2];
	[bflag:$0x3] =	sbarrier.arrive $0xFFFF;
	s2 =	simm.s32 @!p0 $0x1C01  }
0x5d: {  	[timem:s3], [sflag:s2] =	dma.local @!p0 [hbm:s0], s1  }
0x5e: {  	s0 =	simm.s32 @!p0 $0x1  }
0x5f: {  	_ =	swait.ge @!p0 [sflag:s0], s1  }
0x60: {  	s1 =	ssub.s32 @!p0 $0x0, s1;
	[sflag:s0] =	ssyncset.done @!p0 $0x0  }
0x61: {  	[sflag:s0] =	ssyncadd.s32 @!p0 s1  }
0x62: {  	[bflag:$0x3] =	sbarrier.arrive $0xFFFF  }
0x63: {  	_ =	shalt  }

</sc_bundles>
